<compile_context>
chip_gen: v7x
topology: tpu7x:2x2x1
jax: 0.10.2.dev20260603
libtpu: 0.0.44.dev20260713+nightly
codegen_flags: <defaults>
</compile_context>

<pallas_src>
import functools

import jax
import jax.numpy as jnp
from jax import lax
from jax.experimental import pallas as pl
from jax.experimental.pallas import tpu as pltpu
from jax.experimental.pallas import tpu_sc as plsc

NUM_CLASSES = 1000
NUM_ETYPES = 16
NC = 2
NS = 16
NW = NC * NS
LANES = 16


def _pick_chunk(e_per_w: int) -> int:
    for c in range(min(e_per_w, 19000), 0, -1):
        if e_per_w % c == 0 and c % 16 == 0 and (e_per_w // c) % 2 == 0:
            return c
    return e_per_w


@functools.lru_cache(maxsize=None)
def _build(e_total: int):
    e_per_w = e_total // NW
    chunk = _pick_chunk(e_per_w)
    n_chunks = e_per_w // chunk
    n_vec = chunk // LANES

    mesh = plsc.VectorSubcoreMesh(core_axis_name="c", subcore_axis_name="s")

    @functools.partial(
        pl.kernel,
        out_type=jax.ShapeDtypeStruct((e_total,), jnp.float32),
        mesh=mesh,
        compiler_params=pltpu.CompilerParams(
            needs_layout_passes=False,
            disable_bounds_checks=True,
            disable_semaphore_checks=True,
            skip_device_barrier=True,
        ),
        scratch_types=[
            pltpu.VMEM((NUM_CLASSES * NUM_ETYPES,), jnp.float32),
            [pltpu.VMEM((chunk,), jnp.int32)] * 2,
            [pltpu.VMEM((chunk,), jnp.int32)] * 2,
            [pltpu.VMEM((chunk,), jnp.float32)] * 2,
            [pltpu.SemaphoreType.DMA] * 2,
            [pltpu.SemaphoreType.DMA] * 2,
        ],
    )
    def gather_kernel(
        tab_hbm, et_hbm, tc_hbm, out_hbm, tab_v, et_v, tc_v, out_v, sin, sout
    ):
        wid = lax.axis_index("s") * NC + lax.axis_index("c")
        base = wid * e_per_w
        pltpu.sync_copy(tab_hbm, tab_v)

        def start_in(c, b):
            off = base + c * chunk
            pltpu.async_copy(et_hbm.at[pl.ds(off, chunk)], et_v[b], sin[b])
            pltpu.async_copy(tc_hbm.at[pl.ds(off, chunk)], tc_v[b], sin[b])

        def wait_in(b):
            pltpu.make_async_copy(
                et_hbm.at[pl.ds(base, chunk)], et_v[b], sin[b]
            ).wait()
            pltpu.make_async_copy(
                tc_hbm.at[pl.ds(base, chunk)], tc_v[b], sin[b]
            ).wait()

        def wait_out(b):
            pltpu.make_async_copy(
                out_v[b], out_hbm.at[pl.ds(base, chunk)], sout[b]
            ).wait()

        start_in(0, 0)
        start_in(1, 1)

        def pair_body(p, carry):
            for b in range(2):
                c = p * 2 + b
                wait_in(b)

                @pl.when(c + 2 < n_chunks)
                def _():
                    start_in(c + 2, b)

                @pl.when(c >= 2)
                def _():
                    wait_out(b)

                @plsc.parallel_loop(0, n_vec, unroll=8)
                def _(i):
                    sl = pl.ds(i * LANES, LANES)
                    idx = tc_v[b][sl] * NUM_ETYPES + et_v[b][sl]
                    out_v[b][sl] = plsc.load_gather(tab_v, [idx])

                pltpu.async_copy(
                    out_v[b], out_hbm.at[pl.ds(base + c * chunk, chunk)], sout[b]
                )
            return carry

        lax.fori_loop(0, n_chunks // 2, pair_body, 0)
        wait_out(0)
        wait_out(1)

    return gather_kernel


def kernel(etype, target_class, head_idx, class_edge_weights):
    tab = class_edge_weights[:, :, head_idx].reshape(-1)
    return _build(etype.shape[0])(tab, etype, target_class)

# --- scband reference (transcript-rebuilt; emitter-appended) ---
"""Pipeline reference for scband-class-aware-edge-weighting-42820823941453 (READ-ONLY COPY).

The authoritative reference and input builder live on the scoring server;
editing this copy changes nothing except your own understanding.
"""

import jax, jax.numpy as jnp
import numpy as np

NUM_CLASSES = 1000
NUM_ETYPES = 16
NUM_HEADS = 8
E = 6400000
INIT_VALUE = 1.0
USE_SOFTMAX = False


def setup_inputs(seed: int = 0) -> dict:
    key = jax.random.key(seed)
    k1, k2 = jax.random.split(key, 2)
    etype = jax.random.randint(k1, (E,), 0, NUM_ETYPES, dtype=jnp.int32)
    target_class = jax.random.randint(k2, (E,), 0, NUM_CLASSES, dtype=jnp.int32)
    head_idx = 3
    class_edge_weights = jnp.ones((NUM_CLASSES, NUM_ETYPES, NUM_HEADS), dtype=jnp.float32) * INIT_VALUE
    return {
        "etype": etype,
        "target_class": target_class,
        "head_idx": head_idx,
        "class_edge_weights": class_edge_weights,
    }


def reference(etype, target_class, head_idx, class_edge_weights):
    # clamp target_class to valid range (matches torch safety clamp; identity for in-range inputs)
    target_class = jnp.clip(target_class, -1, NUM_CLASSES - 1)
    # select weights for this attention head: [num_classes, num_etypes]
    weights_for_head = class_edge_weights[:, :, head_idx]
    if USE_SOFTMAX:
        weights_for_head = jax.nn.softmax(weights_for_head, axis=1)
    valid_mask = target_class >= 0
    target_class_safe = jnp.where(valid_mask, target_class, jnp.zeros_like(target_class))
    # per-edge gather on (class, etype) pairs -> [E]
    weights = weights_for_head[target_class_safe, etype]
    weights = jnp.where(valid_mask, weights, jnp.ones_like(weights))
    return weights

if __name__ == "__main__":
    import jax
    _d = setup_inputs()
    print(jax.jit(kernel)(*tuple(_d.values())))

</pallas_src>

<mosaic_0001>
#map = affine_map<(d0, d1) -> (0)>
module attributes {stable_mosaic.version = 14 : i64} {
  func.func @gather_kernel(%arg0: i32, %arg1: i32, %arg2: memref<16000xf32, #tpu.memory_space<hbm>>, %arg3: memref<6400000xi32, #tpu.memory_space<hbm>>, %arg4: memref<6400000xi32, #tpu.memory_space<hbm>>, %arg5: memref<6400000xf32, #tpu.memory_space<hbm>>, %arg6: memref<16000xf32, #tpu.memory_space<vmem>>, %arg7: memref<10000xi32, #tpu.memory_space<vmem>>, %arg8: memref<10000xi32, #tpu.memory_space<vmem>>, %arg9: memref<10000xi32, #tpu.memory_space<vmem>>, %arg10: memref<10000xi32, #tpu.memory_space<vmem>>, %arg11: memref<10000xf32, #tpu.memory_space<vmem>>, %arg12: memref<10000xf32, #tpu.memory_space<vmem>>, %arg13: memref<!tpu.dma_semaphore, #tpu.memory_space<semaphore_mem>>, %arg14: memref<!tpu.dma_semaphore, #tpu.memory_space<semaphore_mem>>, %arg15: memref<!tpu.dma_semaphore, #tpu.memory_space<semaphore_mem>>, %arg16: memref<!tpu.dma_semaphore, #tpu.memory_space<semaphore_mem>>) attributes {dimension_semantics = [#tpu.dimension_semantics<core_parallel>, #tpu.dimension_semantics<subcore_parallel>], iteration_bounds = array<i64: 2, 16>, scalar_prefetch = 0 : i64, scratch_operands = 11 : i64, tpu.core_type = #tpu.core_type<sc_vector_subcore>, window_params = [{transform_indices = #map}, {transform_indices = #map}, {transform_indices = #map}, {transform_indices = #map}]} {
    %mul3A = arith.constant 2 : i32
    %mul3A_0 = arith.muli %arg1, %mul3A : i32
    %add3A = arith.addi %mul3A_0, %arg0 : i32
    %mul3A_1 = arith.constant 200000 : i32
    %mul3A_2 = arith.muli %add3A, %mul3A_1 : i32
    "tpu.region"() ({
      %run_scoped3A = tpu.sem_alloc : memref<!tpu.dma_semaphore, #tpu.memory_space<semaphore_mem>>
      tpu.enqueue_dma source(%arg2 : memref<16000xf32, #tpu.memory_space<hbm>>) target(%arg6 : memref<16000xf32, #tpu.memory_space<vmem>>) target_semaphore(%run_scoped3A : memref<!tpu.dma_semaphore, #tpu.memory_space<semaphore_mem>>)
      tpu.wait_dma2 semaphore(%run_scoped3A : memref<!tpu.dma_semaphore, #tpu.memory_space<semaphore_mem>>) src(%arg2 : memref<16000xf32, #tpu.memory_space<hbm>>) dst(%arg6 : memref<16000xf32, #tpu.memory_space<vmem>>)
      tpu.yield
    }) : () -> ()
    %add3A_3 = arith.constant 0 : i32
    %add3A_4 = arith.addi %mul3A_2, %add3A_3 : i32
    %dma_start3A = tpu.memref_slice %arg3[%add3A_4] : memref<6400000xi32, #tpu.memory_space<hbm>> -> memref<10000xi32, #tpu.memory_space<hbm>>
    %dma_start3A_5 = tpu.memref_slice %arg3[%add3A_4] : memref<6400000xi32, #tpu.memory_space<hbm>> -> memref<10000xi32, #tpu.memory_space<hbm>>
    tpu.enqueue_dma source(%dma_start3A_5 : memref<10000xi32, #tpu.memory_space<hbm>>) target(%arg7 : memref<10000xi32, #tpu.memory_space<vmem>>) target_semaphore(%arg13 : memref<!tpu.dma_semaphore, #tpu.memory_space<semaphore_mem>>)
    %dma_start3A_6 = tpu.memref_slice %arg4[%add3A_4] : memref<6400000xi32, #tpu.memory_space<hbm>> -> memref<10000xi32, #tpu.memory_space<hbm>>
    %dma_start3A_7 = tpu.memref_slice %arg4[%add3A_4] : memref<6400000xi32, #tpu.memory_space<hbm>> -> memref<10000xi32, #tpu.memory_space<hbm>>
    tpu.enqueue_dma source(%dma_start3A_7 : memref<10000xi32, #tpu.memory_space<hbm>>) target(%arg9 : memref<10000xi32, #tpu.memory_space<vmem>>) target_semaphore(%arg13 : memref<!tpu.dma_semaphore, #tpu.memory_space<semaphore_mem>>)
    %add3A_8 = arith.constant 10000 : i32
    %add3A_9 = arith.addi %mul3A_2, %add3A_8 : i32
    %dma_start3A_10 = tpu.memref_slice %arg3[%add3A_9] : memref<6400000xi32, #tpu.memory_space<hbm>> -> memref<10000xi32, #tpu.memory_space<hbm>>
    %dma_start3A_11 = tpu.memref_slice %arg3[%add3A_9] : memref<6400000xi32, #tpu.memory_space<hbm>> -> memref<10000xi32, #tpu.memory_space<hbm>>
    tpu.enqueue_dma source(%dma_start3A_11 : memref<10000xi32, #tpu.memory_space<hbm>>) target(%arg8 : memref<10000xi32, #tpu.memory_space<vmem>>) target_semaphore(%arg14 : memref<!tpu.dma_semaphore, #tpu.memory_space<semaphore_mem>>)
    %dma_start3A_12 = tpu.memref_slice %arg4[%add3A_9] : memref<6400000xi32, #tpu.memory_space<hbm>> -> memref<10000xi32, #tpu.memory_space<hbm>>
    %dma_start3A_13 = tpu.memref_slice %arg4[%add3A_9] : memref<6400000xi32, #tpu.memory_space<hbm>> -> memref<10000xi32, #tpu.memory_space<hbm>>
    tpu.enqueue_dma source(%dma_start3A_13 : memref<10000xi32, #tpu.memory_space<hbm>>) target(%arg10 : memref<10000xi32, #tpu.memory_space<vmem>>) target_semaphore(%arg14 : memref<!tpu.dma_semaphore, #tpu.memory_space<semaphore_mem>>)
    %scan3A = arith.constant 0 : i32
    %scan3A_14 = arith.constant 0 : i32
    %scan3A_15 = arith.constant 10 : i32
    %scan3A_16 = arith.addi %scan3A_14, %scan3A_15 : i32
    %scan3A_17 = arith.constant 1 : i32
    scf.for %scan3A_22 = %scan3A_14 to %scan3A_16 step %scan3A_17  : i32 {
      %mul3A_23 = arith.constant 2 : i32
      %mul3A_24 = arith.muli %scan3A_22, %mul3A_23 : i32
      %add3A_25 = arith.constant 0 : i32
      %add3A_26 = arith.addi %mul3A_24, %add3A_25 : i32
      %dma_wait3A_27 = tpu.memref_slice %arg3[%mul3A_2] : memref<6400000xi32, #tpu.memory_space<hbm>> -> memref<10000xi32, #tpu.memory_space<hbm>>
      %dma_wait3A_28 = tpu.memref_slice %arg3[%mul3A_2] : memref<6400000xi32, #tpu.memory_space<hbm>> -> memref<10000xi32, #tpu.memory_space<hbm>>
      tpu.wait_dma2 semaphore(%arg13 : memref<!tpu.dma_semaphore, #tpu.memory_space<semaphore_mem>>) src(%dma_wait3A_28 : memref<10000xi32, #tpu.memory_space<hbm>>) dst(%arg7 : memref<10000xi32, #tpu.memory_space<vmem>>)
      %dma_wait3A_29 = tpu.memref_slice %arg4[%mul3A_2] : memref<6400000xi32, #tpu.memory_space<hbm>> -> memref<10000xi32, #tpu.memory_space<hbm>>
      %dma_wait3A_30 = tpu.memref_slice %arg4[%mul3A_2] : memref<6400000xi32, #tpu.memory_space<hbm>> -> memref<10000xi32, #tpu.memory_space<hbm>>
      tpu.wait_dma2 semaphore(%arg13 : memref<!tpu.dma_semaphore, #tpu.memory_space<semaphore_mem>>) src(%dma_wait3A_30 : memref<10000xi32, #tpu.memory_space<hbm>>) dst(%arg9 : memref<10000xi32, #tpu.memory_space<vmem>>)
      %add3A_31 = arith.constant 2 : i32
      %add3A_32 = arith.addi %add3A_26, %add3A_31 : i32
      %lt3A = arith.constant 20 : i32
      %lt3A_33 = arith.cmpi slt, %add3A_32, %lt3A : i32
      %convert_element_type3A = arith.extui %lt3A_33 : i1 to i32
      %cond3A = arith.constant 0 : i32
      %cond3A_34 = arith.cmpi ne, %convert_element_type3A, %cond3A : i32
      scf.if %cond3A_34 {
        %add3A_74 = arith.constant 2 : i32
        %add3A_75 = arith.addi %add3A_26, %add3A_74 : i32
        %mul3A_76 = arith.constant 10000 : i32
        %mul3A_77 = arith.muli %add3A_75, %mul3A_76 : i32
        %add3A_78 = arith.addi %mul3A_2, %mul3A_77 : i32
        %dma_start3A_79 = tpu.memref_slice %arg3[%add3A_78] : memref<6400000xi32, #tpu.memory_space<hbm>> -> memref<10000xi32, #tpu.memory_space<hbm>>
        %dma_start3A_80 = tpu.memref_slice %arg3[%add3A_78] : memref<6400000xi32, #tpu.memory_space<hbm>> -> memref<10000xi32, #tpu.memory_space<hbm>>
        tpu.enqueue_dma source(%dma_start3A_80 : memref<10000xi32, #tpu.memory_space<hbm>>) target(%arg7 : memref<10000xi32, #tpu.memory_space<vmem>>) target_semaphore(%arg13 : memref<!tpu.dma_semaphore, #tpu.memory_space<semaphore_mem>>)
        %dma_start3A_81 = tpu.memref_slice %arg4[%add3A_78] : memref<6400000xi32, #tpu.memory_space<hbm>> -> memref<10000xi32, #tpu.memory_space<hbm>>
        %dma_start3A_82 = tpu.memref_slice %arg4[%add3A_78] : memref<6400000xi32, #tpu.memory_space<hbm>> -> memref<10000xi32, #tpu.memory_space<hbm>>
        tpu.enqueue_dma source(%dma_start3A_82 : memref<10000xi32, #tpu.memory_space<hbm>>) target(%arg9 : memref<10000xi32, #tpu.memory_space<vmem>>) target_semaphore(%arg13 : memref<!tpu.dma_semaphore, #tpu.memory_space<semaphore_mem>>)
      } else {
      }
      %ge3A = arith.constant 2 : i32
      %ge3A_35 = arith.cmpi sge, %add3A_26, %ge3A : i32
      %convert_element_type3A_36 = arith.extui %ge3A_35 : i1 to i32
      %cond3A_37 = arith.constant 0 : i32
      %cond3A_38 = arith.cmpi ne, %convert_element_type3A_36, %cond3A_37 : i32
      scf.if %cond3A_38 {
        %dma_wait3A_74 = tpu.memref_slice %arg5[%mul3A_2] : memref<6400000xf32, #tpu.memory_space<hbm>> -> memref<10000xf32, #tpu.memory_space<hbm>>
        %dma_wait3A_75 = tpu.memref_slice %arg5[%mul3A_2] : memref<6400000xf32, #tpu.memory_space<hbm>> -> memref<10000xf32, #tpu.memory_space<hbm>>
        tpu.wait_dma2 semaphore(%arg15 : memref<!tpu.dma_semaphore, #tpu.memory_space<semaphore_mem>>) src(%arg11 : memref<10000xf32, #tpu.memory_space<vmem>>) dst(%dma_wait3A_75 : memref<10000xf32, #tpu.memory_space<hbm>>)
      } else {
      }
      %parallel_loop3A = arith.constant 0 : i32
      %parallel_loop3A_39 = arith.constant 625 : i32
      %parallel_loop3A_40 = arith.constant 1 : i32
      scf.for %parallel_loop3A_74 = %parallel_loop3A to %parallel_loop3A_39 step %parallel_loop3A_40  : i32 {
        %parallel_loop3A_75 = arith.constant 16 : i32
        %parallel_loop3A_76 = arith.muli %parallel_loop3A_74, %parallel_loop3A_75 : i32
        %parallel_loop3A_77 = arith.index_cast %parallel_loop3A_76 : i32 to index
        %parallel_loop3A_78 = tpu.vector_load %arg9[%parallel_loop3A_77] {strides = array<i32>} : memref<10000xi32, #tpu.memory_space<vmem>>, vector<16xi32>,
        %parallel_loop3A_79 = arith.constant 16 : i32
        %parallel_loop3A_80 = vector.broadcast %parallel_loop3A_79 : i32 to vector<16xi32>
        %parallel_loop3A_81 = arith.muli %parallel_loop3A_78, %parallel_loop3A_80 : vector<16xi32>
        %parallel_loop3A_82 = arith.index_cast %parallel_loop3A_76 : i32 to index
        %parallel_loop3A_83 = tpu.vector_load %arg7[%parallel_loop3A_82] {strides = array<i32>} : memref<10000xi32, #tpu.memory_space<vmem>>, vector<16xi32>,
        %parallel_loop3A_84 = arith.addi %parallel_loop3A_81, %parallel_loop3A_83 : vector<16xi32>
        %parallel_loop3A_85 = tpu.vector_load_idx %arg6[%parallel_loop3A_84] : memref<16000xf32, #tpu.memory_space<vmem>>[vector<16xi32>], vector<16xf32>,
        %parallel_loop3A_86 = arith.index_cast %parallel_loop3A_76 : i32 to index
        %parallel_loop3A_87 = tpu.vector_load %arg11[%parallel_loop3A_86] {strides = array<i32>} : memref<10000xf32, #tpu.memory_space<vmem>>, vector<16xf32>,
        tpu.vector_store %arg11[%parallel_loop3A_86], %parallel_loop3A_85 {strides = array<i32>} : memref<10000xf32, #tpu.memory_space<vmem>>, vector<16xf32>,
      } {sc.loop_unroll_factor = 8 : i64, sc.parallel_access}
      %mul3A_41 = arith.constant 10000 : i32
      %mul3A_42 = arith.muli %add3A_26, %mul3A_41 : i32
      %add3A_43 = arith.addi %mul3A_2, %mul3A_42 : i32
      %dma_start3A_44 = tpu.memref_slice %arg5[%add3A_43] : memref<6400000xf32, #tpu.memory_space<hbm>> -> memref<10000xf32, #tpu.memory_space<hbm>>
      %dma_start3A_45 = tpu.memref_slice %arg5[%add3A_43] : memref<6400000xf32, #tpu.memory_space<hbm>> -> memref<10000xf32, #tpu.memory_space<hbm>>
      tpu.enqueue_dma source(%arg11 : memref<10000xf32, #tpu.memory_space<vmem>>) target(%dma_start3A_45 : memref<10000xf32, #tpu.memory_space<hbm>>) target_semaphore(%arg15 : memref<!tpu.dma_semaphore, #tpu.memory_space<semaphore_mem>>)
      %mul3A_46 = arith.constant 2 : i32
      %mul3A_47 = arith.muli %scan3A_22, %mul3A_46 : i32
      %add3A_48 = arith.constant 1 : i32
      %add3A_49 = arith.addi %mul3A_47, %add3A_48 : i32
      %dma_wait3A_50 = tpu.memref_slice %arg3[%mul3A_2] : memref<6400000xi32, #tpu.memory_space<hbm>> -> memref<10000xi32, #tpu.memory_space<hbm>>
      %dma_wait3A_51 = tpu.memref_slice %arg3[%mul3A_2] : memref<6400000xi32, #tpu.memory_space<hbm>> -> memref<10000xi32, #tpu.memory_space<hbm>>
      tpu.wait_dma2 semaphore(%arg14 : memref<!tpu.dma_semaphore, #tpu.memory_space<semaphore_mem>>) src(%dma_wait3A_51 : memref<10000xi32, #tpu.memory_space<hbm>>) dst(%arg8 : memref<10000xi32, #tpu.memory_space<vmem>>)
      %dma_wait3A_52 = tpu.memref_slice %arg4[%mul3A_2] : memref<6400000xi32, #tpu.memory_space<hbm>> -> memref<10000xi32, #tpu.memory_space<hbm>>
      %dma_wait3A_53 = tpu.memref_slice %arg4[%mul3A_2] : memref<6400000xi32, #tpu.memory_space<hbm>> -> memref<10000xi32, #tpu.memory_space<hbm>>
      tpu.wait_dma2 semaphore(%arg14 : memref<!tpu.dma_semaphore, #tpu.memory_space<semaphore_mem>>) src(%dma_wait3A_53 : memref<10000xi32, #tpu.memory_space<hbm>>) dst(%arg10 : memref<10000xi32, #tpu.memory_space<vmem>>)
      %add3A_54 = arith.constant 2 : i32
      %add3A_55 = arith.addi %add3A_49, %add3A_54 : i32
      %lt3A_56 = arith.constant 20 : i32
      %lt3A_57 = arith.cmpi slt, %add3A_55, %lt3A_56 : i32
      %convert_element_type3A_58 = arith.extui %lt3A_57 : i1 to i32
      %cond3A_59 = arith.constant 0 : i32
      %cond3A_60 = arith.cmpi ne, %convert_element_type3A_58, %cond3A_59 : i32
      scf.if %cond3A_60 {
        %add3A_74 = arith.constant 2 : i32
        %add3A_75 = arith.addi %add3A_49, %add3A_74 : i32
        %mul3A_76 = arith.constant 10000 : i32
        %mul3A_77 = arith.muli %add3A_75, %mul3A_76 : i32
        %add3A_78 = arith.addi %mul3A_2, %mul3A_77 : i32
        %dma_start3A_79 = tpu.memref_slice %arg3[%add3A_78] : memref<6400000xi32, #tpu.memory_space<hbm>> -> memref<10000xi32, #tpu.memory_space<hbm>>
        %dma_start3A_80 = tpu.memref_slice %arg3[%add3A_78] : memref<6400000xi32, #tpu.memory_space<hbm>> -> memref<10000xi32, #tpu.memory_space<hbm>>
        tpu.enqueue_dma source(%dma_start3A_80 : memref<10000xi32, #tpu.memory_space<hbm>>) target(%arg8 : memref<10000xi32, #tpu.memory_space<vmem>>) target_semaphore(%arg14 : memref<!tpu.dma_semaphore, #tpu.memory_space<semaphore_mem>>)
        %dma_start3A_81 = tpu.memref_slice %arg4[%add3A_78] : memref<6400000xi32, #tpu.memory_space<hbm>> -> memref<10000xi32, #tpu.memory_space<hbm>>
        %dma_start3A_82 = tpu.memref_slice %arg4[%add3A_78] : memref<6400000xi32, #tpu.memory_space<hbm>> -> memref<10000xi32, #tpu.memory_space<hbm>>
        tpu.enqueue_dma source(%dma_start3A_82 : memref<10000xi32, #tpu.memory_space<hbm>>) target(%arg10 : memref<10000xi32, #tpu.memory_space<vmem>>) target_semaphore(%arg14 : memref<!tpu.dma_semaphore, #tpu.memory_space<semaphore_mem>>)
      } else {
      }
      %ge3A_61 = arith.constant 2 : i32
      %ge3A_62 = arith.cmpi sge, %add3A_49, %ge3A_61 : i32
      %convert_element_type3A_63 = arith.extui %ge3A_62 : i1 to i32
      %cond3A_64 = arith.constant 0 : i32
      %cond3A_65 = arith.cmpi ne, %convert_element_type3A_63, %cond3A_64 : i32
      scf.if %cond3A_65 {
        %dma_wait3A_74 = tpu.memref_slice %arg5[%mul3A_2] : memref<6400000xf32, #tpu.memory_space<hbm>> -> memref<10000xf32, #tpu.memory_space<hbm>>
        %dma_wait3A_75 = tpu.memref_slice %arg5[%mul3A_2] : memref<6400000xf32, #tpu.memory_space<hbm>> -> memref<10000xf32, #tpu.memory_space<hbm>>
        tpu.wait_dma2 semaphore(%arg16 : memref<!tpu.dma_semaphore, #tpu.memory_space<semaphore_mem>>) src(%arg12 : memref<10000xf32, #tpu.memory_space<vmem>>) dst(%dma_wait3A_75 : memref<10000xf32, #tpu.memory_space<hbm>>)
      } else {
      }
      %parallel_loop3A_66 = arith.constant 0 : i32
      %parallel_loop3A_67 = arith.constant 625 : i32
      %parallel_loop3A_68 = arith.constant 1 : i32
      scf.for %parallel_loop3A_74 = %parallel_loop3A_66 to %parallel_loop3A_67 step %parallel_loop3A_68  : i32 {
        %parallel_loop3A_75 = arith.constant 16 : i32
        %parallel_loop3A_76 = arith.muli %parallel_loop3A_74, %parallel_loop3A_75 : i32
        %parallel_loop3A_77 = arith.index_cast %parallel_loop3A_76 : i32 to index
        %parallel_loop3A_78 = tpu.vector_load %arg10[%parallel_loop3A_77] {strides = array<i32>} : memref<10000xi32, #tpu.memory_space<vmem>>, vector<16xi32>,
        %parallel_loop3A_79 = arith.constant 16 : i32
        %parallel_loop3A_80 = vector.broadcast %parallel_loop3A_79 : i32 to vector<16xi32>
        %parallel_loop3A_81 = arith.muli %parallel_loop3A_78, %parallel_loop3A_80 : vector<16xi32>
        %parallel_loop3A_82 = arith.index_cast %parallel_loop3A_76 : i32 to index
        %parallel_loop3A_83 = tpu.vector_load %arg8[%parallel_loop3A_82] {strides = array<i32>} : memref<10000xi32, #tpu.memory_space<vmem>>, vector<16xi32>,
        %parallel_loop3A_84 = arith.addi %parallel_loop3A_81, %parallel_loop3A_83 : vector<16xi32>
        %parallel_loop3A_85 = tpu.vector_load_idx %arg6[%parallel_loop3A_84] : memref<16000xf32, #tpu.memory_space<vmem>>[vector<16xi32>], vector<16xf32>,
        %parallel_loop3A_86 = arith.index_cast %parallel_loop3A_76 : i32 to index
        %parallel_loop3A_87 = tpu.vector_load %arg12[%parallel_loop3A_86] {strides = array<i32>} : memref<10000xf32, #tpu.memory_space<vmem>>, vector<16xf32>,
        tpu.vector_store %arg12[%parallel_loop3A_86], %parallel_loop3A_85 {strides = array<i32>} : memref<10000xf32, #tpu.memory_space<vmem>>, vector<16xf32>,
      } {sc.loop_unroll_factor = 8 : i64, sc.parallel_access}
      %mul3A_69 = arith.constant 10000 : i32
      %mul3A_70 = arith.muli %add3A_49, %mul3A_69 : i32
      %add3A_71 = arith.addi %mul3A_2, %mul3A_70 : i32
      %dma_start3A_72 = tpu.memref_slice %arg5[%add3A_71] : memref<6400000xf32, #tpu.memory_space<hbm>> -> memref<10000xf32, #tpu.memory_space<hbm>>
      %dma_start3A_73 = tpu.memref_slice %arg5[%add3A_71] : memref<6400000xf32, #tpu.memory_space<hbm>> -> memref<10000xf32, #tpu.memory_space<hbm>>
      tpu.enqueue_dma source(%arg12 : memref<10000xf32, #tpu.memory_space<vmem>>) target(%dma_start3A_73 : memref<10000xf32, #tpu.memory_space<hbm>>) target_semaphore(%arg16 : memref<!tpu.dma_semaphore, #tpu.memory_space<semaphore_mem>>)
    }
    %scan3A_18 = arith.constant 10 : i32
    %dma_wait3A = tpu.memref_slice %arg5[%mul3A_2] : memref<6400000xf32, #tpu.memory_space<hbm>> -> memref<10000xf32, #tpu.memory_space<hbm>>
    %dma_wait3A_19 = tpu.memref_slice %arg5[%mul3A_2] : memref<6400000xf32, #tpu.memory_space<hbm>> -> memref<10000xf32, #tpu.memory_space<hbm>>
    tpu.wait_dma2 semaphore(%arg15 : memref<!tpu.dma_semaphore, #tpu.memory_space<semaphore_mem>>) src(%arg11 : memref<10000xf32, #tpu.memory_space<vmem>>) dst(%dma_wait3A_19 : memref<10000xf32, #tpu.memory_space<hbm>>)
    %dma_wait3A_20 = tpu.memref_slice %arg5[%mul3A_2] : memref<6400000xf32, #tpu.memory_space<hbm>> -> memref<10000xf32, #tpu.memory_space<hbm>>
    %dma_wait3A_21 = tpu.memref_slice %arg5[%mul3A_2] : memref<6400000xf32, #tpu.memory_space<hbm>> -> memref<10000xf32, #tpu.memory_space<hbm>>
    tpu.wait_dma2 semaphore(%arg16 : memref<!tpu.dma_semaphore, #tpu.memory_space<semaphore_mem>>) src(%arg12 : memref<10000xf32, #tpu.memory_space<vmem>>) dst(%dma_wait3A_21 : memref<10000xf32, #tpu.memory_space<hbm>>)
    return
  }
}

</mosaic_0001>

<sc_bundles>
// kernel: kernel.3.cloned.1.call-start
scs
__scs_entry_jumppad:
0x0: {  	(pc) =	sbr.rel $0x88, $3  }
0x1: {  	(tag) =	ssettag $0x0;
	lr =	simm.s32 $0x1  }
0x2: {  	[smem:$0x3F9D] =	sst lr;
	_ =	strace $0xD0000000  }
0x3: {  	_ = 	snop  }
0x4: {  	_ = 	snop  }
0x5: {  	_ = 	snop  }
0x6: {  	_ = 	snop  }
0x7: {  	_ = 	snop  }
__scs_overlays_trampoline_lowered:
0x8: {  	[smem:$0x3FAC] =	sst s0  }
0x9: {  	[smem:$0x3FAD] =	sst s1  }
0xa: {  	[smem:$0x3FAE] =	sst s2  }
0xb: {  	[smem:$0x3FAF] =	sst s3  }
0xc: {  	[smem:$0x3FB0] =	sst s4  }
0xd: {  	[smem:$0x3FB1] =	sst s5  }
0xe: {  	[smem:$0x3FB2] =	sst s6  }
0xf: {  	[smem:$0x3FB3] =	sst s7  }
0x10: {  	[smem:$0x3FB4] =	sst s8  }
0x11: {  	[smem:$0x3FB5] =	sst s9;
	s0 =	simm.s32 @!p0 $0x0  }
0x12: {  	s1 =	sld [smem:$0x3F9B];
	s0 =	simm.s32 @p0 $0x1  }
0x13: {  	[smem:$0x3FB6] =	sst s0;
	s0 =	simm.s32 @!p1 $0x0  }
0x14: {  	s2 =	sld [smem:$0x3F9A];
	s0 =	simm.s32 @p1 $0x1  }
0x15: {  	[smem:$0x3FB7] =	sst s0;
	s0 =	simm.s32 @!p2 $0x0  }
0x16: {  	s3 =	sld [smem:$0x3FDB];
	s0 =	simm.s32 @p2 $0x1  }
0x17: {  	s4 =	simm.s32 $0x1BF5;
	[smem:$0x3FB9] =	sst s0  }
0x18: {  	s0 =	sld [smem:$0x3F9C];
	_ =	swait.ge [sflag:s4], $0x0  }
0x19: {  	s7 =	sld [smem:$0x3F9D]  }
0x1a: {  	s8 =	sadd.s32 $0xFFFFE003, lr  }
0x1b: {  	s9 =	sadd.s32 $0xFFFFFEF7, lr;
	s5 =	simm.s32 $0xFFFFFFFF;
	p2 =	slt.u32 s8, $0xFFFFF086  }
0x1c: {  	p1 =	slt.u32 s9, $0xF7A;
	s5 =	simm.s32 @!p2 $0x0  }
0x1d: {  	s5 =	simm.s32 @p1 $0x1;
	p0 =	seq.s32 s7, s2  }
0x1e: {  	s7 =	smul.u32 @!p0 $0xF7A, s2;
	p2 =	seq.s32 @!p0 s5, $0x0  }
0x1f: {  	s9 =	smul.u32 $0xF7A, s1;
	s8 =	simm.s32 @!p0 $0x1BF5;
	p2 =	por !p2, p0  }
0x20: {  	[sflag:s8] =	ssyncset.s32 @!p0 $0xFFFFF086;
	s6 =	sadd.s32 @!p0 s3, s7;
	s7 =	simm.s32 @!p0 $0x108  }
0x21: {  	s3 =	sadd.s32 s3, s9;
	s6 =	sadd.s32 @!p0 $0x88, s6;
	s7 =	simm.s32 @p2 $0x1082  }
0x22: {  	[simem:s7], [sflag:s8] =	dma.local @!p0 [hbm:s6], $0xF7A  }
0x23: {  	s9 =	sor.u32 $0xD0000000, s2;
	s6 =	simm.s32 $0x108;
	_ =	swait.ge @!p0 [sflag:s8], $0x0  }
0x24: {  	s3 =	sadd.s32 $0x88, s3;
	s6 =	simm.s32 @!p1 $0x1082;
	[sflag:s4] =	ssyncset.s32 $0xFFFFF086  }
0x25: {  	[simem:s6], [sflag:s4] =	dma.local [hbm:s3], $0xF7A  }
0x26: {  	[smem:$0x3F9D] =	sst s1;
	(tag) =	ssettag s2;
	_ =	strace s9  }
0x27: {  	s1 =	sld [smem:$0x3FAD]  }
0x28: {  	s2 =	sld [smem:$0x3FAE]  }
0x29: {  	s4 =	sld [smem:$0x3FB0]  }
0x2a: {  	p0 =	seq.s32 s5, $0x0;
	s5 =	sld [smem:$0x3FB1]  }
0x2b: {  	s6 =	sld [smem:$0x3FB2]  }
0x2c: {  	s7 =	sld [smem:$0x3FB3]  }
0x2d: {  	s3 =	simm.s32 $0x108;
	s8 =	sld [smem:$0x3FB4]  }
0x2e: {  	s3 =	simm.s32 @!p0 $0x1082;
	s9 =	sld [smem:$0x3FB5]  }
0x2f: {  	lr =	sadd.s32 s0, s3;
	s0 =	sld [smem:$0x3FAC]  }
0x30: {  	s3 =	sld [smem:$0x3FAF]  }
0x31: {  	[smem:$0x3FB8] =	sst s10  }
0x32: {  	s10 =	sld [smem:$0x3FB6];
	_ =	sdelay $0x3  }
0x33: {  	p0 =	seq.s32 s10, $0x1;
	s10 =	sld [smem:$0x3FB8];
	_ =	sdelay $0x3  }
0x34: {  	[smem:$0x3FB8] =	sst s10  }
0x35: {  	s10 =	sld [smem:$0x3FB7];
	_ =	sdelay $0x3  }
0x36: {  	p1 =	seq.s32 s10, $0x1;
	s10 =	sld [smem:$0x3FB8];
	_ =	sdelay $0x3  }
0x37: {  	[smem:$0x3FB8] =	sst s10  }
0x38: {  	s10 =	sld [smem:$0x3FB9]  }
0x39: {  	_ = 	snop;
	(pc) =	sbr.ind lr, $3  }
0x3a: {  	_ = 	snop  }
0x3b: {  	_ = 	snop  }
0x3c: {  	p2 =	seq.s32 s10, $0x1;
	s10 =	sld [smem:$0x3FB8]  }
0x3d: {  	_ =	shalt  }
0x3e: {  	_ =	shalt  }
0x3f: {  	_ =	shalt  }
0x40: {  	_ =	shalt  }
0x41: {  	_ =	shalt  }
0x42: {  	_ =	shalt  }
0x43: {  	_ =	shalt  }
0x44: {  	_ =	shalt  }
0x45: {  	_ =	shalt  }
0x46: {  	_ =	shalt  }
0x47: {  	_ =	shalt  }
0x48: {  	_ =	shalt  }
0x49: {  	_ =	shalt  }
0x4a: {  	_ =	shalt  }
0x4b: {  	_ =	shalt  }
0x4c: {  	_ =	shalt  }
0x4d: {  	_ =	shalt  }
0x4e: {  	_ =	shalt  }
0x4f: {  	_ =	shalt  }
0x50: {  	_ =	shalt  }
0x51: {  	_ =	shalt  }
0x52: {  	_ =	shalt  }
0x53: {  	_ =	shalt  }
0x54: {  	_ =	shalt  }
0x55: {  	_ =	shalt  }
0x56: {  	_ =	shalt  }
0x57: {  	_ =	shalt  }
0x58: {  	_ =	shalt  }
0x59: {  	_ =	shalt  }
0x5a: {  	_ =	shalt  }
0x5b: {  	_ =	shalt  }
0x5c: {  	_ =	shalt  }
0x5d: {  	_ =	shalt  }
0x5e: {  	_ =	shalt  }
0x5f: {  	_ =	shalt  }
0x60: {  	_ =	shalt  }
0x61: {  	_ =	shalt  }
0x62: {  	_ =	shalt  }
0x63: {  	_ =	shalt  }
0x64: {  	_ =	shalt  }
0x65: {  	_ =	shalt  }
0x66: {  	_ =	shalt  }
0x67: {  	_ =	shalt  }
0x68: {  	_ =	shalt  }
0x69: {  	_ =	shalt  }
0x6a: {  	_ =	shalt  }
0x6b: {  	_ =	shalt  }
0x6c: {  	_ =	shalt  }
0x6d: {  	_ =	shalt  }
0x6e: {  	_ =	shalt  }
0x6f: {  	_ =	shalt  }
0x70: {  	_ =	shalt  }
0x71: {  	_ =	shalt  }
0x72: {  	_ =	shalt  }
0x73: {  	_ =	shalt  }
0x74: {  	_ =	shalt  }
0x75: {  	_ =	shalt  }
0x76: {  	_ =	shalt  }
0x77: {  	_ =	shalt  }
0x78: {  	_ =	shalt  }
0x79: {  	_ =	shalt  }
0x7a: {  	_ =	shalt  }
0x7b: {  	_ =	shalt  }
0x7c: {  	_ =	shalt  }
0x7d: {  	_ =	shalt  }
0x7e: {  	_ =	shalt  }
0x7f: {  	_ =	shalt  }
0x80: {  	_ =	shalt  }
0x81: {  	_ =	shalt  }
0x82: {  	_ =	shalt  }
0x83: {  	_ =	shalt  }
0x84: {  	_ =	shalt  }
0x85: {  	_ =	shalt  }
0x86: {  	_ =	shalt  }
0x87: {  	_ =	shalt  }
.Lfunc_end0:
.L_simem_size_0:
called_computation_lowered:
.L_overlay_start_0:
0x88: {  	s2 =	sld [smem:$0x3FD9]  }
0x89: {  	s3 =	sld [smem:$0x3FFE];
	_ =	sdelay $0x1  }
0x8a: {  	s1 =	srdreg.scid  }
0x8b: {  	s0 =	sand.u32 $0x1, s1  }
0x8c: {  	s17 =	sshll.u32 s0, $0xA;
	s2 =	sadd.s32 s3, s2  }
0x8d: {  	s2 =	sadd.s32 s2, s17  }
0x8e: {  	[smem:$0x3FC4] =	sst s2  }
0x8f: {  	_ = 	snop  }
0x90: {  	s2 =	sld [smem:$0x3FC9]  }
0x91: {  	s18 =	sld [smem:$0x3FC8]  }
0x92: {  	s4 =	sld [smem:$0x3FD0];
	(tm) =	ssettm $0x1  }
0x93: {  	s5 =	sld [smem:$0x3FFB];
	_ =	sdelay $0x3  }
0x94: {  	_ =	strace s5  }
0x95: {  	s5 =	sld [smem:$0x3FFC];
	_ =	sdelay $0x3  }
0x96: {  	_ =	strace s5  }
0x97: {  	s5 =	sld [smem:$0x3FFD];
	_ =	sdelay $0x3  }
0x98: {  	_ =	strace s5  }
0x99: {  	_ =	strace $0x8FFFFFFF  }
0x9a: {  	s19 =	sld [smem:$0x3FDB];
	_ =	sdelay $0x1  }
0x9b: {  	s6 =	simm.s32 $_scs_section_size  }
0x9c: {  	s7 =	simm.s32 $_size__tile_overlayer_lowered;
	s8 =	simm.s32 $_tile_overlayer_lowered  }
0x9d: {  	s22 =	simm.s32 $0x1BFF;
	s21 =	sshll.u32 s8, $0x1;
	s5 =	sadd.s32 s6, s19  }
0x9e: {  	s9 =	simm.s32 $0x0;
	s20 =	sshll.u32 s7, $0x1;
	s7 =	sadd.s32 s21, s5  }
0x9f: {  	[timem:s9], [sflag:s22] =	dma.local [hbm:s7], s20  }
0xa0: {  	_ =	swait.ge [sflag:s22], s20  }
0xa1: {  	s6 =	ssub.s32 $0x0, s20;
	[sflag:s22] =	ssyncset.done $0x0  }
0xa2: {  	[sflag:s22] =	ssyncadd.s32 s6;
	_ =	sdelay $0x1  }
0xa3: {  	s23 =	simm.s32 $0x1B8B  }
0xa4: {  	_ =	swait.ge [sflag:s23], $0x1  }
0xa5: {  	[sflag:s23] =	ssyncset.done $0x0  }
0xa6: {  	s25 =	simm.s32 $0x1B8E;
	s24 =	sld [smem:$0x3FFE];
	[sflag:s23] =	ssyncadd.s32 $0xFFFFFFFF  }
0xa7: {  	s26 =	simm.s32 $execute0_lowered;
	[smem:$0x3FD2] =	sst s25  }
0xa8: {  	s7 =	sshll.u32 s26, $0x1;
	_ =	strace $0x80000046;
	[dreg:$0x1] =	wrdreg $0xFFFFFFFF  }
0xa9: {  	s28 =	simm.s32 $_size_execute0_lowered;
	s5 =	sadd.s32 s5, s7;
	[dreg:$0x0] =	wrdreg $0x0  }
0xaa: {  	s7 =	sshll.u32 s28, $0x1;
	[dreg:$0x2] =	wrdreg s5  }
0xab: {  	[dreg:$0x3] =	wrdreg s7  }
0xac: {  	[dreg:$0x4] =	wrdreg $0xC0  }
0xad: {  	_ =	task [dreg:s9], $0x5FFFF  }
0xae: {  	[dreg:$0x1] =	wrdreg $0xFFFFFFFF  }
0xaf: {  	[dreg:$0x0] =	wrdreg $0x60  }
0xb0: {  	[dreg:$0x2] =	wrdreg s24  }
0xb1: {  	[dreg:$0x3] =	wrdreg s2  }
0xb2: {  	[dreg:$0x4] =	wrdreg s18  }
0xb3: {  	[dreg:$0x5] =	wrdreg s4  }
0xb4: {  	[dreg:$0x6] =	wrdreg $0x9  }
0xb5: {  	_ =	task.clear_ibuf [dreg:s9], $0x7FFFF;
	_ =	strace $0x90000046  }
0xb6: {  	s29 =	simm.s32 $0x9;
	_ =	strace $0x80000048  }
0xb7: {  	_ =	swait.ge [sflag:s29], $0x1  }
0xb8: {  	[sflag:s29] =	ssyncadd.s32 $0xFFFFFFFF  }
0xb9: {  	_ =	strace $0x90000048  }
0xba: {  	_ =	sfence  }
0xbb: {  	s30 =	sld [smem:$0x0];
	_ =	sdelay $0x2  }
0xbc: {  	s31 =	sshll.u32 s1, $0xD;
	s1 =	sshrl.u32 s1, $0x2  }
0xbd: {  	s3 =	sand.u32 $0x4000, s31;
	s1 =	sadd.s32 s1, s30  }
0xbe: {  	s0 =	sor.u32 s3, s0;
	s1 =	sshll.u32 s1, $0x11  }
0xbf: {  	s0 =	sor.u32 s1, s0  }
0xc0: {  	s0 =	sadd.s32 $0x8F2B, s0  }
0xc1: {  	[sflag:s0] =	ssyncadd.remote.s32 $0x1  }
0xc2: {  	_ =	sfence.sel $0xFFFF  }
0xc3: {  	[dreg:$0x0] =	wrdreg $0xFFFFFFFF;
	(pc) =	sbr.abs _section_cstart, $3  }
0xc4: {  	[dreg:$0x1] =	wrdreg $0xFFFFFFFF  }
0xc5: {  	_ =	task.clear_ibuf [dreg:s9], $0x2FFFF;
	_ =	strace $0x9FFFFFFF  }
0xc6: {  	(tm) =	ssettm $0x7FFFFFFF  }
0xc7: {  	_ =	shalt  }
tec
execute0_lowered:
.L_overlay_start_1:
0x0: {  	(tag) =	ssettag $0x1  }
0x1: {  	s0 =	rddreg [dreg:$0x0]  }
0x2: {  	s1 =	rddreg [dreg:$0x1]  }
0x3: {  	s3 =	rddreg [dreg:$0x2];
	s2 =	srdreg.scid  }
0x4: {  	s5 =	stileid.u32;
	s4 =	rddreg [dreg:$0x3];
	s16 =	simm.s32 $0x5  }
0x5: {  	s19 =	simm.s32 $0x6600;
	s20 =	simm.s32 $0xB500;
	s21 =	simm.s32 $0x1  }
0x6: {  	s22 =	simm.s32 $0xDC80;
	s23 =	simm.s32 $0x2;
	s24 =	simm.s32 $0x10400  }
0x7: {  	s25 =	simm.s32 $0x3;
	s2 =	sand.u32 $0x1, s2;
	s6 =	sshll.u32 s5, $0x1  }
0x8: {  	s26 =	simm.s32 $0x4;
	s28 =	simm.s32 $0x0;
	s6 =	sor.u32 s2, s6  }
0x9: {  	s5 =	simm.s32 $0x0;
	s30 =	ssub.s32 $0x2, s2;
	s6 =	smul.u32 $0x30D40, s6  }
0xa: {  	s7 =	sadd.s32 $0x800, s0;
	[smem:$0x7FF] =	sst s5;
	s2 =	sshrl.u32 s30, $0x1  }
0xb: {  	_ =	strace $0x80000047;
	s0 =	ssub.s32 s30, s2;
	s10 =	sshrl.u32 s6, $0x3  }
0xc: {  	s8 =	sadd.s32 $0x2710, s6;
	s13 =	sadd.s32 $0x4E20, s6;
	s14 =	sadd.s32 $0x7530, s6  }
0xd: {  	s15 =	smax.u32 s0, $0x1;
	s9 =	sadd.s32 s1, s10;
	s31 =	sshrl.u32 s8, $0x3  }
0xe: {  	s10 =	sadd.s32 s3, s10;
	s11 =	sadd.s32 s1, s31;
	s12 =	sadd.s32 s3, s31  }
.LBB2_1:
0xf: {  	[tilespmem:s5], [sflag:$0x5] =	stream.linear.gather [hbm4b:s7+s5], $0x3E80, $0x38;
	[tilespmem:$0x12B80] =	vst v63  }
0x10: {  	_ =	swait.ge [sflag:s16], $0x3E80  }
0x11: {  	[sflag:s16] =	ssyncset.done $0x0  }
0x12: {  	s0 =	simm.s32 $0x3E80;
	[sflag:s16] =	ssyncadd.s32 $0xFFFFC180  }
0x13: {  	[tilespmem:s0], [sflag:$0x1] =	stream.linear.gather [hbm4b:s9+s5], $0x2710, $0x38;
	[tilespmem:$0x12B80] =	vst v63  }
0x14: {  	s31 =	simm.s32 $0x8D80  }
0x15: {  	[tilespmem:s31], [sflag:$0x1] =	stream.linear.gather [hbm4b:s10+s5], $0x2710, $0x38;
	[tilespmem:$0x12B80] =	vst v63  }
0x16: {  	_ = 	snop  }
0x17: {  	[tilespmem:s19], [sflag:$0x2] =	stream.linear.gather [hbm4b:s11+s5], $0x2710, $0x38;
	[tilespmem:$0x12B80] =	vst v63  }
0x18: {  	s29 =	simm.s32 $0x0  }
0x19: {  	[tilespmem:s20], [sflag:$0x2] =	stream.linear.gather [hbm4b:s12+s5], $0x2710, $0x38;
	[tilespmem:$0x12B80] =	vst v63  }
.LBB2_2:
0x1a: {  	_ =	swait.ge [sflag:s21], $0x2710;
	p0 =	seq.s32 s29, $0x9  }
0x1b: {  	[sflag:s21] =	ssyncset.done $0x0;
	s0 =	smul.u32 @!p0 $0x4E20, s29  }
0x1c: {  	[sflag:s21] =	ssyncadd.s32 $0xFFFFD8F0  }
0x1d: {  	s17 =	simm.s32 @!p0 $0x0;
	_ =	swait.ge [sflag:s21], $0x2710;
	s0 =	sadd.s32 @!p0 s0, s13  }
0x1e: {  	s18 =	simm.s32 @!p0 $0x3E80;
	[sflag:s21] =	ssyncset.done $0x0;
	s0 =	sshrl.u32 @!p0 s0, $0x3  }
0x1f: {  	p1 =	seq.s32 @!p0 s29, $0x0;
	[sflag:s21] =	ssyncadd.s32 $0xFFFFD8F0;
	s2 =	sadd.s32 @!p0 s1, s0  }
0x20: {  	[tilespmem:s18], [sflag:$0x1] =	stream.linear.gather @!p0 [hbm4b:s2+s17], $0x2710, $0x38;
	[tilespmem:$0x12B80] =	vst v63  }
0x21: {  	p1 =	por p0, !p1;
	s0 =	sadd.s32 @!p0 s3, s0;
	s2 =	simm.s32 @!p0 $0x8D80  }
0x22: {  	[tilespmem:s2], [sflag:$0x1] =	stream.linear.gather @!p0 [hbm4b:s0+s17], $0x2710, $0x38;
	[tilespmem:$0x12B80] =	vst v63  }
0x23: {  	_ =	swait.ge @p1 [sflag:s25], $0x2710  }
0x24: {  	[sflag:s25] =	ssyncset.done @p1 $0x0  }
0x25: {  	s2 =	simm.s32 $0x8DC0;
	[sflag:s25] =	ssyncadd.s32 @p1 $0xFFFFD8F0  }
0x26: {  	s17 =	simm.s32 $0x3EC0;
	v0 =	vld [tilespmem:s2+$0x30]  }
0x27: {  	v1 =	vld [tilespmem:s17+$0x30]  }
0x28: {  	v2 =	vld [tilespmem:s2+$0xFFFFFFD0]  }
0x29: {  	v3 =	vld [tilespmem:s2+$0xFFFFFFE0]  }
0x2a: {  	v4 =	vld [tilespmem:s2+$0xFFFFFFF0]  }
0x2b: {  	v5 =	vld [tilespmem:s2+$0x0]  }
0x2c: {  	v6 =	vld [tilespmem:s2+$0xFFFFFFC0]  }
0x2d: {  	v7 =	vld [tilespmem:s17+$0xFFFFFFC0]  }
0x2e: {  	v8 =	vld [tilespmem:s17+$0xFFFFFFE0]  }
0x2f: {  	v9 =	vld [tilespmem:s17+$0xFFFFFFF0]  }
0x30: {  	v10 =	vld [tilespmem:s2+$0x10]  }
0x31: {  	s30 =	simm.s32 $0x3F40;
	v11 =	vld [tilespmem:s2+$0x20]  }
0x32: {  	s18 =	simm.s32 $0x8E40;
	v12 =	vld [tilespmem:s30+$0x30]  }
0x33: {  	v13 =	vld [tilespmem:s18+$0xFFFFFFD0]  }
0x34: {  	v14 =	vld [tilespmem:s18+$0xFFFFFFE0];
	v0 =	vshll.u32 v0, $0x4  }
0x35: {  	v3 =	vshll.u32 v3, $0x4;
	v0 =	vadd.s32 v1, v0;
	v1 =	vld [tilespmem:s17+$0xFFFFFFD0]  }
0x36: {  	v15 =	vld [tilespmem:s18+$0xFFFFFFF0];
	v3 =	vadd.s32 v8, v3  }
0x37: {  	v16 =	vld [tilespmem:s18+$0x0]  }
0x38: {  	v17 =	vld [tilespmem:s18+$0x10]  }
0x39: {  	v60 =	vld [tilespmem:s18+$0x20];
	v2 =	vshll.u32 v2, $0x4  }
0x3a: {  	v18 =	vld [tilespmem:s18+$0xFFFFFFC0];
	v1 =	vadd.s32 v1, v2;
	v2 =	vshll.u32 v4, $0x4  }
0x3b: {  	v2 =	vadd.s32 v9, v2;
	v9 =	vld.idx.msk [tilespmem:v3+s5+$0x0], $0xffff  }
0x3c: {  	v3 =	vld [tilespmem:s18+$0x30]  }
0x3d: {  	v19 =	vld [tilespmem:s30+$0xFFFFFFC0]  }
0x3e: {  	v20 =	vld [tilespmem:s30+$0xFFFFFFD0]  }
0x3f: {  	v61 =	vld [tilespmem:s30+$0x0];
	v6 =	vshll.u32 v6, $0x4  }
0x40: {  	v62 =	vld [tilespmem:s30+$0x10];
	v6 =	vadd.s32 v7, v6  }
0x41: {  	v4 =	vld [tilespmem:s17+$0x0];
	v3 =	vshll.u32 v3, $0x4  }
0x42: {  	v7 =	vld [tilespmem:s17+$0x10];
	v3 =	vadd.s32 v12, v3  }
0x43: {  	v8 =	vld [tilespmem:s17+$0x20]  }
0x44: {  	v0 =	vld.idx.msk [tilespmem:v0+s5+$0x0], $0xffff  }
0x45: {  	v5 =	vshll.u32 v5, $0x4;
	v6 =	vld.idx.msk [tilespmem:v6+s5+$0x0], $0xffff  }
0x46: {  	v4 =	vadd.s32 v4, v5;
	v5 =	vld [tilespmem:s30+$0xFFFFFFE0]  }
0x47: {  	v11 =	vshll.u32 v11, $0x4;
	v21 =	vld.idx.msk [tilespmem:v3+s5+$0x0], $0xffff  }
0x48: {  	v8 =	vadd.s32 v8, v11;
	v3 =	vshll.u32 v10, $0x4;
	v10 =	vld [tilespmem:s30+$0xFFFFFFF0]  }
0x49: {  	v63 =	vld [tilespmem:s30+$0x20];
	v3 =	vadd.s32 v7, v3;
	v7 =	vshll.u32 v18, $0x4  }
0x4a: {  	v13 =	vshll.u32 v13, $0x4;
	v1 =	vld.idx.msk [tilespmem:v1+s5+$0x0], $0xffff;
	v7 =	vadd.s32 v19, v7  }
0x4b: {  	s31 =	simm.s32 $0xDCC0;
	v13 =	vadd.s32 v20, v13;
	v11 =	vshll.u32 v14, $0x4;
	v2 =	vld.idx.msk [tilespmem:v2+s5+$0x0], $0xffff  }
0x4c: {  	[tilespmem:s31+$0x30] =	vst v0;
	v0 =	vadd.s32 v5, v11;
	v5 =	vshll.u32 v15, $0x4;
	v11 =	vld.idx.msk [tilespmem:v4+s5+$0x0], $0xffff  }
0x4d: {  	[tilespmem:s31+$0xFFFFFFC0] =	vst v6;
	v6 =	vld.idx.msk [tilespmem:v8+s5+$0x0], $0xffff;
	v10 =	vadd.s32 v10, v5  }
0x4e: {  	[tilespmem:s31+$0xFFFFFFE0] =	vst v9;
	v5 =	vld.idx.msk [tilespmem:v3+s5+$0x0], $0xffff  }
0x4f: {  	[tilespmem:s31+$0xFFFFFFD0] =	vst v1;
	v3 =	vld.idx.msk [tilespmem:v7+s5+$0x0], $0xffff  }
0x50: {  	v4 =	vld.idx.msk [tilespmem:v13+s5+$0x0], $0xffff;
	v1 =	vshll.u32 v16, $0x4;
	[tilespmem:s31+$0xFFFFFFF0] =	vst v2  }
0x51: {  	s2 =	simm.s32 $0xDD40;
	v8 =	vshll.u32 v60, $0x4;
	v2 =	vshll.u32 v17, $0x4;
	v1 =	vadd.s32 v61, v1;
	[tilespmem:s31+$0x0] =	vst v11;
	v7 =	vld.idx.msk [tilespmem:v0+s5+$0x0], $0xffff  }
0x52: {  	s0 =	simm.s32 $0x8;
	s17 =	simm.s32 $0x8EC0;
	v2 =	vadd.s32 v62, v2;
	[tilespmem:s2+$0x30] =	vst v21;
	v0 =	vadd.s32 v63, v8;
	v8 =	vld.idx.msk [tilespmem:v10+s5+$0x0], $0xffff  }
.LBB2_3:
0x53: {  	v9 =	vld [tilespmem:s17+$0x30];
	s0 =	sadd.s32 $0x8, s0;
	s30 =	sadd.s32 $0x80, s30;
	[tilespmem:s31+$0x10] =	vst v5  }
0x54: {  	v5 =	vld [tilespmem:s30+$0x30];
	p2 =	slt.u32 s0, $0x268;
	[tilespmem:s2+$0xFFFFFFC0] =	vst v3  }
0x55: {  	v3 =	vld [tilespmem:s17+$0xFFFFFFD0];
	[tilespmem:s2+$0xFFFFFFD0] =	vst v4  }
0x56: {  	v4 =	vld [tilespmem:s17+$0xFFFFFFE0];
	[tilespmem:s31+$0x20] =	vst v6;
	s31 =	smov.u32 s2  }
0x57: {  	v6 =	vld [tilespmem:s17+$0xFFFFFFF0];
	[tilespmem:s2+$0xFFFFFFE0] =	vst v7  }
0x58: {  	v7 =	vld [tilespmem:s17+$0x0];
	v9 =	vshll.u32 v9, $0x4;
	[tilespmem:s2+$0xFFFFFFF0] =	vst v8  }
0x59: {  	v8 =	vld [tilespmem:s17+$0x10];
	v5 =	vadd.s32 v5, v9  }
0x5a: {  	v3 =	vshll.u32 v3, $0x4;
	v9 =	vld [tilespmem:s17+$0x20]  }
0x5b: {  	v10 =	vld [tilespmem:s17+$0xFFFFFFC0];
	v4 =	vshll.u32 v4, $0x4  }
0x5c: {  	v11 =	vld [tilespmem:s30+$0xFFFFFFC0];
	v6 =	vshll.u32 v6, $0x4  }
0x5d: {  	v12 =	vld [tilespmem:s30+$0xFFFFFFD0];
	v7 =	vshll.u32 v7, $0x4  }
0x5e: {  	v8 =	vshll.u32 v8, $0x4;
	v5 =	vld.idx.msk [tilespmem:v5+s5+$0x0], $0xffff  }
0x5f: {  	v13 =	vld [tilespmem:s30+$0xFFFFFFE0];
	v9 =	vshll.u32 v9, $0x4  }
0x60: {  	v10 =	vshll.u32 v10, $0x4;
	v14 =	vld [tilespmem:s30+$0xFFFFFFF0]  }
0x61: {  	v10 =	vadd.s32 v11, v10;
	v11 =	vld [tilespmem:s30+$0x0]  }
0x62: {  	v12 =	vadd.s32 v12, v3;
	v15 =	vld [tilespmem:s30+$0x10]  }
0x63: {  	s2 =	sadd.s32 $0x80, s2;
	v16 =	vld [tilespmem:s30+$0x20]  }
0x64: {  	v13 =	vadd.s32 v13, v4;
	[tilespmem:s2+$0x30] =	vst v5;
	v17 =	vld.idx.msk [tilespmem:v1+s5+$0x0], $0xffff  }
0x65: {  	v14 =	vadd.s32 v14, v6;
	v5 =	vld.idx.msk [tilespmem:v2+s5+$0x0], $0xffff  }
.Ltmp0:
0x66: {  	v3 =	vld.idx.msk [tilespmem:v10+s5+$0x0], $0xffff;
	v1 =	vadd.s32 v11, v7;
	(pc) =	sbr.rel @p2 .LBB2_3-.Ltmp0, $4  }
0x67: {  	v4 =	vld.idx.msk [tilespmem:v12+s5+$0x0], $0xffff;
	v2 =	vadd.s32 v15, v8  }
0x68: {  	v6 =	vld.idx.msk [tilespmem:v0+s5+$0x0], $0xffff;
	v0 =	vadd.s32 v16, v9  }
0x69: {  	v7 =	vld.idx.msk [tilespmem:v13+s5+$0x0], $0xffff  }
0x6a: {  	s17 =	sadd.s32 $0x80, s17;
	v8 =	vld.idx.msk [tilespmem:v14+s5+$0x0], $0xffff;
	[tilespmem:s31+$0x0] =	vst v17  }
0x6b: {  	_ =	sdelay $0x2  }
0x6c: {  	[tilespmem:s31+$0x10] =	vst v5  }
0x6d: {  	[tilespmem:s2+$0xFFFFFFC0] =	vst v3;
	v1 =	vld.idx.msk [tilespmem:v1+s5+$0x0], $0xffff  }
0x6e: {  	v2 =	vld.idx.msk [tilespmem:v2+s5+$0x0], $0xffff;
	[tilespmem:s2+$0xFFFFFFD0] =	vst v4  }
0x6f: {  	v0 =	vld.idx.msk [tilespmem:v0+s5+$0x0], $0xffff;
	[tilespmem:s31+$0x20] =	vst v6  }
0x70: {  	[tilespmem:s2+$0xFFFFFFE0] =	vst v7  }
0x71: {  	[tilespmem:s2+$0xFFFFFFF0] =	vst v8  }
0x72: {  	[tilespmem:s2+$0x0] =	vst v1  }
0x73: {  	[tilespmem:s2+$0x10] =	vst v2  }
0x74: {  	[tilespmem:s2+$0x20] =	vst v0  }
0x75: {  	v0 =	vld [tilespmem:$0xB480]  }
0x76: {  	v1 =	vld [tilespmem:$0x6580];
	_ =	sdelay $0x3  }
0x77: {  	v0 =	vshll.u32 v0, $0x4  }
0x78: {  	v0 =	vadd.s32 v1, v0;
	_ =	sdelay $0x4  }
0x79: {  	v0 =	vld.idx.msk [tilespmem:v0+s5+$0x0], $0xffff  }
0x7a: {  	s30 =	smul.u32 $0x4E20, s29;
	_ =	sdelay $0x1  }
0x7b: {  	s0 =	sadd.s32 s6, s30  }
0x7c: {  	s0 =	sshrl.u32 s0, $0x3  }
0x7d: {  	s0 =	sadd.s32 s4, s0;
	[tilespmem:$0x10380] =	vst v0  }
0x7e: {  	[hbm4b:s0+s5] =	stream.linear.scatter [tilespmem:s22], [sflag:$0x3], $0x2710, $0x38;
	[tilespmem:$0x12B80] =	vst v63  }
0x7f: {  	_ =	swait.ge [sflag:s23], $0x2710  }
0x80: {  	[sflag:s23] =	ssyncset.done $0x0  }
0x81: {  	[sflag:s23] =	ssyncadd.s32 $0xFFFFD8F0  }
0x82: {  	s0 =	sadd.s32 @!p0 s30, s14;
	_ =	swait.ge [sflag:s23], $0x2710  }
0x83: {  	s17 =	simm.s32 @!p0 $0x0;
	s0 =	sshrl.u32 @!p0 s0, $0x3;
	[sflag:s23] =	ssyncset.done $0x0  }
0x84: {  	s18 =	simm.s32 @!p0 $0x6600;
	s2 =	sadd.s32 @!p0 s1, s0;
	[sflag:s23] =	ssyncadd.s32 $0xFFFFD8F0  }
0x85: {  	[tilespmem:s18], [sflag:$0x2] =	stream.linear.gather @!p0 [hbm4b:s2+s17], $0x2710, $0x38;
	[tilespmem:$0x12B80] =	vst v63  }
0x86: {  	s0 =	sadd.s32 @!p0 s3, s0;
	s2 =	simm.s32 @!p0 $0xB500  }
0x87: {  	[tilespmem:s2], [sflag:$0x2] =	stream.linear.gather @!p0 [hbm4b:s0+s17], $0x2710, $0x38;
	[tilespmem:$0x12B80] =	vst v63  }
0x88: {  	_ =	swait.ge @p1 [sflag:s26], $0x2710  }
0x89: {  	[sflag:s26] =	ssyncset.done @p1 $0x0  }
0x8a: {  	s2 =	simm.s32 $0xB540;
	[sflag:s26] =	ssyncadd.s32 @p1 $0xFFFFD8F0  }
0x8b: {  	s17 =	simm.s32 $0x6640;
	v0 =	vld [tilespmem:s2+$0x30]  }
0x8c: {  	v1 =	vld [tilespmem:s17+$0x30]  }
0x8d: {  	v2 =	vld [tilespmem:s2+$0xFFFFFFD0]  }
0x8e: {  	v3 =	vld [tilespmem:s2+$0xFFFFFFE0]  }
0x8f: {  	v4 =	vld [tilespmem:s2+$0xFFFFFFF0]  }
0x90: {  	v5 =	vld [tilespmem:s2+$0x0]  }
0x91: {  	v6 =	vld [tilespmem:s2+$0xFFFFFFC0]  }
0x92: {  	v7 =	vld [tilespmem:s17+$0xFFFFFFC0]  }
0x93: {  	v8 =	vld [tilespmem:s17+$0xFFFFFFE0]  }
0x94: {  	v9 =	vld [tilespmem:s17+$0xFFFFFFF0]  }
0x95: {  	v10 =	vld [tilespmem:s2+$0x10]  }
0x96: {  	s31 =	simm.s32 $0x66C0;
	v11 =	vld [tilespmem:s2+$0x20]  }
0x97: {  	s18 =	simm.s32 $0xB5C0;
	v12 =	vld [tilespmem:s31+$0x30]  }
0x98: {  	v13 =	vld [tilespmem:s18+$0xFFFFFFD0]  }
0x99: {  	v14 =	vld [tilespmem:s18+$0xFFFFFFE0];
	v0 =	vshll.u32 v0, $0x4  }
0x9a: {  	v3 =	vshll.u32 v3, $0x4;
	v0 =	vadd.s32 v1, v0;
	v1 =	vld [tilespmem:s17+$0xFFFFFFD0]  }
0x9b: {  	v15 =	vld [tilespmem:s18+$0xFFFFFFF0];
	v3 =	vadd.s32 v8, v3  }
0x9c: {  	v16 =	vld [tilespmem:s18+$0x0]  }
0x9d: {  	v17 =	vld [tilespmem:s18+$0x10]  }
0x9e: {  	v60 =	vld [tilespmem:s18+$0x20];
	v2 =	vshll.u32 v2, $0x4  }
0x9f: {  	v18 =	vld [tilespmem:s18+$0xFFFFFFC0];
	v1 =	vadd.s32 v1, v2;
	v2 =	vshll.u32 v4, $0x4  }
0xa0: {  	v2 =	vadd.s32 v9, v2;
	v9 =	vld.idx.msk [tilespmem:v3+s5+$0x0], $0xffff  }
0xa1: {  	v3 =	vld [tilespmem:s18+$0x30]  }
0xa2: {  	v19 =	vld [tilespmem:s31+$0xFFFFFFC0]  }
0xa3: {  	v20 =	vld [tilespmem:s31+$0xFFFFFFD0]  }
0xa4: {  	v61 =	vld [tilespmem:s31+$0x0];
	v6 =	vshll.u32 v6, $0x4  }
0xa5: {  	v62 =	vld [tilespmem:s31+$0x10];
	v6 =	vadd.s32 v7, v6  }
0xa6: {  	v4 =	vld [tilespmem:s17+$0x0];
	v3 =	vshll.u32 v3, $0x4  }
0xa7: {  	v7 =	vld [tilespmem:s17+$0x10];
	v3 =	vadd.s32 v12, v3  }
0xa8: {  	v8 =	vld [tilespmem:s17+$0x20]  }
0xa9: {  	v0 =	vld.idx.msk [tilespmem:v0+s5+$0x0], $0xffff  }
0xaa: {  	v5 =	vshll.u32 v5, $0x4;
	v6 =	vld.idx.msk [tilespmem:v6+s5+$0x0], $0xffff  }
0xab: {  	v4 =	vadd.s32 v4, v5;
	v5 =	vld [tilespmem:s31+$0xFFFFFFE0]  }
0xac: {  	v11 =	vshll.u32 v11, $0x4;
	v21 =	vld.idx.msk [tilespmem:v3+s5+$0x0], $0xffff  }
0xad: {  	v8 =	vadd.s32 v8, v11;
	v3 =	vshll.u32 v10, $0x4;
	v10 =	vld [tilespmem:s31+$0xFFFFFFF0]  }
0xae: {  	v63 =	vld [tilespmem:s31+$0x20];
	v3 =	vadd.s32 v7, v3;
	v7 =	vshll.u32 v18, $0x4  }
0xaf: {  	v13 =	vshll.u32 v13, $0x4;
	v1 =	vld.idx.msk [tilespmem:v1+s5+$0x0], $0xffff;
	v7 =	vadd.s32 v19, v7  }
0xb0: {  	s2 =	simm.s32 $0x10440;
	v13 =	vadd.s32 v20, v13;
	v11 =	vshll.u32 v14, $0x4;
	v2 =	vld.idx.msk [tilespmem:v2+s5+$0x0], $0xffff  }
0xb1: {  	[tilespmem:s2+$0x30] =	vst v0;
	v0 =	vadd.s32 v5, v11;
	v5 =	vshll.u32 v15, $0x4;
	v11 =	vld.idx.msk [tilespmem:v4+s5+$0x0], $0xffff  }
0xb2: {  	[tilespmem:s2+$0xFFFFFFC0] =	vst v6;
	v6 =	vld.idx.msk [tilespmem:v8+s5+$0x0], $0xffff;
	v10 =	vadd.s32 v10, v5  }
0xb3: {  	[tilespmem:s2+$0xFFFFFFE0] =	vst v9;
	v5 =	vld.idx.msk [tilespmem:v3+s5+$0x0], $0xffff  }
0xb4: {  	[tilespmem:s2+$0xFFFFFFD0] =	vst v1;
	v3 =	vld.idx.msk [tilespmem:v7+s5+$0x0], $0xffff  }
0xb5: {  	v4 =	vld.idx.msk [tilespmem:v13+s5+$0x0], $0xffff;
	v1 =	vshll.u32 v16, $0x4;
	[tilespmem:s2+$0xFFFFFFF0] =	vst v2  }
0xb6: {  	s0 =	simm.s32 $0x104C0;
	v8 =	vshll.u32 v60, $0x4;
	v2 =	vshll.u32 v17, $0x4;
	v1 =	vadd.s32 v61, v1;
	[tilespmem:s2+$0x0] =	vst v11;
	v7 =	vld.idx.msk [tilespmem:v0+s5+$0x0], $0xffff  }
0xb7: {  	s17 =	simm.s32 $0x8;
	s18 =	simm.s32 $0xB640;
	v2 =	vadd.s32 v62, v2;
	[tilespmem:s0+$0x30] =	vst v21;
	v0 =	vadd.s32 v63, v8;
	v8 =	vld.idx.msk [tilespmem:v10+s5+$0x0], $0xffff  }
.LBB2_5:
0xb8: {  	v9 =	vld [tilespmem:s18+$0x30];
	s17 =	sadd.s32 $0x8, s17;
	s31 =	sadd.s32 $0x80, s31;
	[tilespmem:s2+$0x10] =	vst v5  }
0xb9: {  	v5 =	vld [tilespmem:s31+$0x30];
	p0 =	slt.u32 s17, $0x268;
	[tilespmem:s0+$0xFFFFFFC0] =	vst v3  }
0xba: {  	v3 =	vld [tilespmem:s18+$0xFFFFFFD0];
	[tilespmem:s0+$0xFFFFFFD0] =	vst v4  }
0xbb: {  	v4 =	vld [tilespmem:s18+$0xFFFFFFE0];
	[tilespmem:s2+$0x20] =	vst v6;
	s2 =	smov.u32 s0  }
0xbc: {  	v6 =	vld [tilespmem:s18+$0xFFFFFFF0];
	[tilespmem:s0+$0xFFFFFFE0] =	vst v7  }
0xbd: {  	v7 =	vld [tilespmem:s18+$0x0];
	v9 =	vshll.u32 v9, $0x4;
	[tilespmem:s0+$0xFFFFFFF0] =	vst v8  }
0xbe: {  	v8 =	vld [tilespmem:s18+$0x10];
	v5 =	vadd.s32 v5, v9  }
0xbf: {  	v3 =	vshll.u32 v3, $0x4;
	v9 =	vld [tilespmem:s18+$0x20]  }
0xc0: {  	v10 =	vld [tilespmem:s18+$0xFFFFFFC0];
	v4 =	vshll.u32 v4, $0x4  }
0xc1: {  	v11 =	vld [tilespmem:s31+$0xFFFFFFC0];
	v6 =	vshll.u32 v6, $0x4  }
0xc2: {  	v12 =	vld [tilespmem:s31+$0xFFFFFFD0];
	v7 =	vshll.u32 v7, $0x4  }
0xc3: {  	v8 =	vshll.u32 v8, $0x4;
	v5 =	vld.idx.msk [tilespmem:v5+s5+$0x0], $0xffff  }
0xc4: {  	v13 =	vld [tilespmem:s31+$0xFFFFFFE0];
	v9 =	vshll.u32 v9, $0x4  }
0xc5: {  	v10 =	vshll.u32 v10, $0x4;
	v14 =	vld [tilespmem:s31+$0xFFFFFFF0]  }
0xc6: {  	v10 =	vadd.s32 v11, v10;
	v11 =	vld [tilespmem:s31+$0x0]  }
0xc7: {  	v12 =	vadd.s32 v12, v3;
	v15 =	vld [tilespmem:s31+$0x10]  }
0xc8: {  	s0 =	sadd.s32 $0x80, s0;
	v16 =	vld [tilespmem:s31+$0x20]  }
0xc9: {  	v13 =	vadd.s32 v13, v4;
	[tilespmem:s0+$0x30] =	vst v5;
	v17 =	vld.idx.msk [tilespmem:v1+s5+$0x0], $0xffff  }
0xca: {  	v14 =	vadd.s32 v14, v6;
	v5 =	vld.idx.msk [tilespmem:v2+s5+$0x0], $0xffff  }
.Ltmp1:
0xcb: {  	v3 =	vld.idx.msk [tilespmem:v10+s5+$0x0], $0xffff;
	v1 =	vadd.s32 v11, v7;
	(pc) =	sbr.rel @p0 .LBB2_5-.Ltmp1, $4  }
0xcc: {  	v4 =	vld.idx.msk [tilespmem:v12+s5+$0x0], $0xffff;
	v2 =	vadd.s32 v15, v8  }
0xcd: {  	v6 =	vld.idx.msk [tilespmem:v0+s5+$0x0], $0xffff;
	v0 =	vadd.s32 v16, v9  }
0xce: {  	v7 =	vld.idx.msk [tilespmem:v13+s5+$0x0], $0xffff  }
0xcf: {  	s18 =	sadd.s32 $0x80, s18;
	v8 =	vld.idx.msk [tilespmem:v14+s5+$0x0], $0xffff;
	[tilespmem:s2+$0x0] =	vst v17  }
0xd0: {  	_ =	sdelay $0x2  }
0xd1: {  	[tilespmem:s2+$0x10] =	vst v5  }
0xd2: {  	[tilespmem:s0+$0xFFFFFFC0] =	vst v3;
	v1 =	vld.idx.msk [tilespmem:v1+s5+$0x0], $0xffff  }
0xd3: {  	v2 =	vld.idx.msk [tilespmem:v2+s5+$0x0], $0xffff;
	[tilespmem:s0+$0xFFFFFFD0] =	vst v4  }
0xd4: {  	v0 =	vld.idx.msk [tilespmem:v0+s5+$0x0], $0xffff;
	[tilespmem:s2+$0x20] =	vst v6  }
0xd5: {  	[tilespmem:s0+$0xFFFFFFE0] =	vst v7  }
0xd6: {  	[tilespmem:s0+$0xFFFFFFF0] =	vst v8  }
0xd7: {  	[tilespmem:s0+$0x0] =	vst v1  }
0xd8: {  	[tilespmem:s0+$0x10] =	vst v2  }
0xd9: {  	[tilespmem:s0+$0x20] =	vst v0  }
0xda: {  	v0 =	vld [tilespmem:$0xDC00]  }
0xdb: {  	v1 =	vld [tilespmem:$0x8D00];
	_ =	sdelay $0x3  }
0xdc: {  	v0 =	vshll.u32 v0, $0x4  }
0xdd: {  	v0 =	vadd.s32 v1, v0;
	_ =	sdelay $0x4  }
0xde: {  	s29 =	sadd.s32 $0x1, s29;
	v0 =	vld.idx.msk [tilespmem:v0+s5+$0x0], $0xffff  }
0xdf: {  	p0 =	sne.s32 s29, $0xA  }
.Ltmp2:
0xe0: {  	_ = 	snop;
	(pc) =	sbr.rel @p0 .LBB2_2-.Ltmp2, $4  }
0xe1: {  	s31 =	sadd.s32 s30, s8  }
0xe2: {  	s0 =	sshrl.u32 s31, $0x3  }
0xe3: {  	s0 =	sadd.s32 s4, s0;
	[tilespmem:$0x12B00] =	vst v0  }
0xe4: {  	[hbm4b:s0+s5] =	stream.linear.scatter [tilespmem:s24], [sflag:$0x4], $0x2710, $0x38;
	[tilespmem:$0x12B80] =	vst v63  }
0xe5: {  	s28 =	sadd.s32 $0x1, s28  }
0xe6: {  	_ =	swait.ge [sflag:s25], $0x2710;
	p0 =	sne.s32 s28, s15  }
.Ltmp3:
0xe7: {  	[sflag:s25] =	ssyncset.done $0x0;
	(pc) =	sbr.rel @p0 .LBB2_1-.Ltmp3, $4  }
0xe8: {  	[sflag:s25] =	ssyncadd.s32 $0xFFFFD8F0  }
0xe9: {  	_ =	swait.ge [sflag:s26], $0x2710  }
0xea: {  	[sflag:s26] =	ssyncset.done $0x0  }
0xeb: {  	[sflag:s26] =	ssyncadd.s32 $0xFFFFD8F0  }
0xec: {  	_ =	sfence.sel $0x180000  }
0xed: {  	[bflag:$0x0] =	sbarrier.arrive $0xFFFF  }
0xee: {  	_ =	strace $0x90000047  }
0xef: {  	s0 =	stileid.u32;
	[bflag:$0x2] =	sbarrier.arrive $0xFFFF  }
0xf0: {  	p0 =	sne.s32 s0, $0x0;
	s0 =	rddreg [dreg:$0x4]  }
0xf1: {  	s0 =	sadd.s32 @!p0 $0x100000, s0  }
0xf2: {  	[sflag:s0] =	ssyncadd.tile.s32 @!p0 $0x1;
	_ =	shalt  }
.Lfunc_end2:
_tile_overlayer_lowered:
.L_overlay_start_2:
0xf3: {  	(tag) =	ssettag $0x2  }
0xf4: {  	s0 =	rddreg [dreg:$0x0];
	s2 =	stileid.u32  }
0xf5: {  	s1 =	rddreg [dreg:$0x1];
	p0 =	sne.s32 s2, $0x0  }
0xf6: {  	s3 =	rddreg [dreg:$0x2];
	[bflag:$0x3] =	sbarrier.arrive $0xFFFF;
	s2 =	simm.s32 @!p0 $0x1C05  }
0xf7: {  	[timem:s3], [sflag:s2] =	dma.local @!p0 [hbm:s0], s1  }
0xf8: {  	s0 =	simm.s32 @!p0 $0x5  }
0xf9: {  	_ =	swait.ge @!p0 [sflag:s0], s1  }
0xfa: {  	s1 =	ssub.s32 @!p0 $0x0, s1;
	[sflag:s0] =	ssyncset.done @!p0 $0x0  }
0xfb: {  	[sflag:s0] =	ssyncadd.s32 @!p0 s1  }
0xfc: {  	[bflag:$0x3] =	sbarrier.arrive $0xFFFF  }
0xfd: {  	_ =	shalt  }

</sc_bundles>
